<compile_context>
chip_gen: v7x
topology: tpu7x:2x2x1
jax: 0.10.2.dev20260603
libtpu: 0.0.44.dev20260713+nightly
codegen_flags: <defaults>
</compile_context>

<pallas_src>
import jax
import jax.numpy as jnp
from jax import lax
from jax.experimental import pallas as pl
from jax.experimental.pallas import tpu as pltpu, tpu_sc as plsc

_INPUT_LEN = 200
_EMBED_DIM = 64
_BATCH = 4096
_FLAT = _INPUT_LEN * _EMBED_DIM

_B_TC = 2048
_B_SC = _BATCH - _B_TC

_NC = 2
_NS = 16
_NW = _NC * _NS
_ROWS_PER_W = _B_SC // _NW
_REP = 8
_BLOCKS_PER_W = _ROWS_PER_W // _REP

_TR = 256
_NB_TC = _B_TC // _TR


def _make_sc_kernel():
    mesh = plsc.VectorSubcoreMesh(core_axis_name="c", subcore_axis_name="s")

    @pl.kernel(
        mesh=mesh,
        out_type=jax.ShapeDtypeStruct((_BATCH, _FLAT), jnp.float32),
        scratch_types=[
            pltpu.VMEM((_REP, _FLAT), jnp.float32),
            pltpu.SemaphoreType.DMA,
        ],
    )
    def sc_kernel(pos_hbm, out_hbm, tile_v, sem):
        wid = lax.axis_index("s") * _NC + lax.axis_index("c")
        base = _B_TC + wid * _ROWS_PER_W
        fills = [pltpu.async_copy(pos_hbm, tile_v.at[r], sem) for r in range(_REP)]
        for f in fills:
            f.wait()
        outs = [
            pltpu.async_copy(
                tile_v, out_hbm.at[pl.ds(base + j * _REP, _REP), :], sem
            )
            for j in range(_BLOCKS_PER_W)
        ]
        for c in outs:
            c.wait()

    return sc_kernel


_SC_KERNEL = _make_sc_kernel()


def _tc_body(flat_ref, pos_ref, out_ref, tile_ref, sem):
    del flat_ref
    tile_ref[...] = jnp.broadcast_to(pos_ref[...], tile_ref.shape)
    copies = [
        pltpu.make_async_copy(tile_ref, out_ref.at[pl.ds(j * _TR, _TR), :], sem)
        for j in range(_NB_TC)
    ]
    for c in copies:
        c.start()
    for c in copies:
        c.wait()


def kernel(x, pos_table):
    del x
    pos_flat = pos_table.reshape(1, _FLAT)
    half = _SC_KERNEL(pos_flat.reshape(_FLAT))
    out = pl.pallas_call(
        _tc_body,
        in_specs=[
            pl.BlockSpec(memory_space=pl.ANY),
            pl.BlockSpec((1, _FLAT), lambda: (0, 0)),
        ],
        out_specs=pl.BlockSpec(memory_space=pl.ANY),
        out_shape=jax.ShapeDtypeStruct((_BATCH, _FLAT), jnp.float32),
        input_output_aliases={0: 0},
        scratch_shapes=[
            pltpu.VMEM((_TR, _FLAT), jnp.float32),
            pltpu.SemaphoreType.DMA,
        ],
    )(half, pos_flat)
    return out.reshape(_BATCH, _INPUT_LEN, _EMBED_DIM)

# --- scband reference (transcript-rebuilt; emitter-appended) ---
"""Pipeline reference for scband-learned-positional-encoding-63118839382514 (READ-ONLY COPY).

The authoritative reference and input builder live on the scoring server;
editing this copy changes nothing except your own understanding.
"""

import jax, jax.numpy as jnp
import numpy as np

INPUT_LEN = 200
EMBED_DIM = 64
BATCH = 4096

def setup_inputs(seed: int = 0) -> dict:
    key = jax.random.key(seed)
    k1, k2 = jax.random.split(key)
    x = jax.random.normal(k1, (BATCH, INPUT_LEN, EMBED_DIM), dtype=jnp.float32)
    # learned positional embedding table, Keras Embedding default init ~ uniform(-0.05, 0.05)
    pos_table = jax.random.uniform(k2, (INPUT_LEN, EMBED_DIM), dtype=jnp.float32, minval=-0.05, maxval=0.05)
    return {"x": x, "pos_table": pos_table}

def reference(x, pos_table):
    positions = jnp.arange(INPUT_LEN)
    pos = jnp.take(pos_table, positions, axis=0)  # [input_len, embed_dim]
    out = jnp.broadcast_to(pos[None, :, :], (x.shape[0], INPUT_LEN, pos.shape[-1]))
    return out

if __name__ == "__main__":
    import jax
    _d = setup_inputs()
    print(jax.jit(kernel)(*tuple(_d.values())))

</pallas_src>

<mosaic_0001>
#map = affine_map<(d0, d1) -> (0)>
#map1 = affine_map<(d0, d1) -> (0, 0)>
module attributes {stable_mosaic.version = 14 : i64} {
  func.func @sc_kernel(%arg0: i32, %arg1: i32, %arg2: memref<12800xf32, #tpu.memory_space<hbm>>, %arg3: memref<4096x12800xf32, #tpu.memory_space<hbm>>, %arg4: memref<8x12800xf32, #tpu.memory_space<vmem>>, %arg5: memref<!tpu.dma_semaphore, #tpu.memory_space<semaphore_mem>>) attributes {dimension_semantics = [#tpu.dimension_semantics<core_parallel>, #tpu.dimension_semantics<subcore_parallel>], iteration_bounds = array<i64: 2, 16>, scalar_prefetch = 0 : i64, scratch_operands = 2 : i64, tpu.core_type = #tpu.core_type<sc_vector_subcore>, window_params = [{transform_indices = #map}, {transform_indices = #map1}]} {
    %mul3A = arith.constant 2 : i32
    %mul3A_0 = arith.muli %arg1, %mul3A : i32
    %add3A = arith.addi %mul3A_0, %arg0 : i32
    %mul3A_1 = arith.constant 64 : i32
    %mul3A_2 = arith.muli %add3A, %mul3A_1 : i32
    %add3A_3 = arith.constant 2048 : i32
    %add3A_4 = arith.addi %add3A_3, %mul3A_2 : i32
    %dma_start3A = arith.constant 0 : i32
    %dma_start3A_5 = arith.constant 0 : i32
    %dma_start3A_6 = tpu.memref_slice %arg4[%dma_start3A, %dma_start3A_5] : memref<8x12800xf32, #tpu.memory_space<vmem>> -> memref<1x12800xf32, #tpu.memory_space<vmem>>
    %dma_start3A_7 = tpu.memref_squeeze %dma_start3A_6 : memref<1x12800xf32, #tpu.memory_space<vmem>> -> memref<12800xf32, #tpu.memory_space<vmem>>
    %dma_start3A_8 = arith.constant 0 : i32
    %dma_start3A_9 = tpu.memref_slice %arg4[%dma_start3A, %dma_start3A_8] : memref<8x12800xf32, #tpu.memory_space<vmem>> -> memref<1x12800xf32, #tpu.memory_space<vmem>>
    %dma_start3A_10 = tpu.memref_squeeze %dma_start3A_9 : memref<1x12800xf32, #tpu.memory_space<vmem>> -> memref<12800xf32, #tpu.memory_space<vmem>>
    tpu.enqueue_dma source(%arg2 : memref<12800xf32, #tpu.memory_space<hbm>>) target(%dma_start3A_10 : memref<12800xf32, #tpu.memory_space<vmem>>) target_semaphore(%arg5 : memref<!tpu.dma_semaphore, #tpu.memory_space<semaphore_mem>>)
    %dma_start3A_11 = arith.constant 1 : i32
    %dma_start3A_12 = arith.constant 0 : i32
    %dma_start3A_13 = tpu.memref_slice %arg4[%dma_start3A_11, %dma_start3A_12] : memref<8x12800xf32, #tpu.memory_space<vmem>> -> memref<1x12800xf32, #tpu.memory_space<vmem>>
    %dma_start3A_14 = tpu.memref_squeeze %dma_start3A_13 : memref<1x12800xf32, #tpu.memory_space<vmem>> -> memref<12800xf32, #tpu.memory_space<vmem>>
    %dma_start3A_15 = arith.constant 0 : i32
    %dma_start3A_16 = tpu.memref_slice %arg4[%dma_start3A_11, %dma_start3A_15] : memref<8x12800xf32, #tpu.memory_space<vmem>> -> memref<1x12800xf32, #tpu.memory_space<vmem>>
    %dma_start3A_17 = tpu.memref_squeeze %dma_start3A_16 : memref<1x12800xf32, #tpu.memory_space<vmem>> -> memref<12800xf32, #tpu.memory_space<vmem>>
    tpu.enqueue_dma source(%arg2 : memref<12800xf32, #tpu.memory_space<hbm>>) target(%dma_start3A_17 : memref<12800xf32, #tpu.memory_space<vmem>>) target_semaphore(%arg5 : memref<!tpu.dma_semaphore, #tpu.memory_space<semaphore_mem>>)
    %dma_start3A_18 = arith.constant 2 : i32
    %dma_start3A_19 = arith.constant 0 : i32
    %dma_start3A_20 = tpu.memref_slice %arg4[%dma_start3A_18, %dma_start3A_19] : memref<8x12800xf32, #tpu.memory_space<vmem>> -> memref<1x12800xf32, #tpu.memory_space<vmem>>
    %dma_start3A_21 = tpu.memref_squeeze %dma_start3A_20 : memref<1x12800xf32, #tpu.memory_space<vmem>> -> memref<12800xf32, #tpu.memory_space<vmem>>
    %dma_start3A_22 = arith.constant 0 : i32
    %dma_start3A_23 = tpu.memref_slice %arg4[%dma_start3A_18, %dma_start3A_22] : memref<8x12800xf32, #tpu.memory_space<vmem>> -> memref<1x12800xf32, #tpu.memory_space<vmem>>
    %dma_start3A_24 = tpu.memref_squeeze %dma_start3A_23 : memref<1x12800xf32, #tpu.memory_space<vmem>> -> memref<12800xf32, #tpu.memory_space<vmem>>
    tpu.enqueue_dma source(%arg2 : memref<12800xf32, #tpu.memory_space<hbm>>) target(%dma_start3A_24 : memref<12800xf32, #tpu.memory_space<vmem>>) target_semaphore(%arg5 : memref<!tpu.dma_semaphore, #tpu.memory_space<semaphore_mem>>)
    %dma_start3A_25 = arith.constant 3 : i32
    %dma_start3A_26 = arith.constant 0 : i32
    %dma_start3A_27 = tpu.memref_slice %arg4[%dma_start3A_25, %dma_start3A_26] : memref<8x12800xf32, #tpu.memory_space<vmem>> -> memref<1x12800xf32, #tpu.memory_space<vmem>>
    %dma_start3A_28 = tpu.memref_squeeze %dma_start3A_27 : memref<1x12800xf32, #tpu.memory_space<vmem>> -> memref<12800xf32, #tpu.memory_space<vmem>>
    %dma_start3A_29 = arith.constant 0 : i32
    %dma_start3A_30 = tpu.memref_slice %arg4[%dma_start3A_25, %dma_start3A_29] : memref<8x12800xf32, #tpu.memory_space<vmem>> -> memref<1x12800xf32, #tpu.memory_space<vmem>>
    %dma_start3A_31 = tpu.memref_squeeze %dma_start3A_30 : memref<1x12800xf32, #tpu.memory_space<vmem>> -> memref<12800xf32, #tpu.memory_space<vmem>>
    tpu.enqueue_dma source(%arg2 : memref<12800xf32, #tpu.memory_space<hbm>>) target(%dma_start3A_31 : memref<12800xf32, #tpu.memory_space<vmem>>) target_semaphore(%arg5 : memref<!tpu.dma_semaphore, #tpu.memory_space<semaphore_mem>>)
    %dma_start3A_32 = arith.constant 4 : i32
    %dma_start3A_33 = arith.constant 0 : i32
    %dma_start3A_34 = tpu.memref_slice %arg4[%dma_start3A_32, %dma_start3A_33] : memref<8x12800xf32, #tpu.memory_space<vmem>> -> memref<1x12800xf32, #tpu.memory_space<vmem>>
    %dma_start3A_35 = tpu.memref_squeeze %dma_start3A_34 : memref<1x12800xf32, #tpu.memory_space<vmem>> -> memref<12800xf32, #tpu.memory_space<vmem>>
    %dma_start3A_36 = arith.constant 0 : i32
    %dma_start3A_37 = tpu.memref_slice %arg4[%dma_start3A_32, %dma_start3A_36] : memref<8x12800xf32, #tpu.memory_space<vmem>> -> memref<1x12800xf32, #tpu.memory_space<vmem>>
    %dma_start3A_38 = tpu.memref_squeeze %dma_start3A_37 : memref<1x12800xf32, #tpu.memory_space<vmem>> -> memref<12800xf32, #tpu.memory_space<vmem>>
    tpu.enqueue_dma source(%arg2 : memref<12800xf32, #tpu.memory_space<hbm>>) target(%dma_start3A_38 : memref<12800xf32, #tpu.memory_space<vmem>>) target_semaphore(%arg5 : memref<!tpu.dma_semaphore, #tpu.memory_space<semaphore_mem>>)
    %dma_start3A_39 = arith.constant 5 : i32
    %dma_start3A_40 = arith.constant 0 : i32
    %dma_start3A_41 = tpu.memref_slice %arg4[%dma_start3A_39, %dma_start3A_40] : memref<8x12800xf32, #tpu.memory_space<vmem>> -> memref<1x12800xf32, #tpu.memory_space<vmem>>
    %dma_start3A_42 = tpu.memref_squeeze %dma_start3A_41 : memref<1x12800xf32, #tpu.memory_space<vmem>> -> memref<12800xf32, #tpu.memory_space<vmem>>
    %dma_start3A_43 = arith.constant 0 : i32
    %dma_start3A_44 = tpu.memref_slice %arg4[%dma_start3A_39, %dma_start3A_43] : memref<8x12800xf32, #tpu.memory_space<vmem>> -> memref<1x12800xf32, #tpu.memory_space<vmem>>
    %dma_start3A_45 = tpu.memref_squeeze %dma_start3A_44 : memref<1x12800xf32, #tpu.memory_space<vmem>> -> memref<12800xf32, #tpu.memory_space<vmem>>
    tpu.enqueue_dma source(%arg2 : memref<12800xf32, #tpu.memory_space<hbm>>) target(%dma_start3A_45 : memref<12800xf32, #tpu.memory_space<vmem>>) target_semaphore(%arg5 : memref<!tpu.dma_semaphore, #tpu.memory_space<semaphore_mem>>)
    %dma_start3A_46 = arith.constant 6 : i32
    %dma_start3A_47 = arith.constant 0 : i32
    %dma_start3A_48 = tpu.memref_slice %arg4[%dma_start3A_46, %dma_start3A_47] : memref<8x12800xf32, #tpu.memory_space<vmem>> -> memref<1x12800xf32, #tpu.memory_space<vmem>>
    %dma_start3A_49 = tpu.memref_squeeze %dma_start3A_48 : memref<1x12800xf32, #tpu.memory_space<vmem>> -> memref<12800xf32, #tpu.memory_space<vmem>>
    %dma_start3A_50 = arith.constant 0 : i32
    %dma_start3A_51 = tpu.memref_slice %arg4[%dma_start3A_46, %dma_start3A_50] : memref<8x12800xf32, #tpu.memory_space<vmem>> -> memref<1x12800xf32, #tpu.memory_space<vmem>>
    %dma_start3A_52 = tpu.memref_squeeze %dma_start3A_51 : memref<1x12800xf32, #tpu.memory_space<vmem>> -> memref<12800xf32, #tpu.memory_space<vmem>>
    tpu.enqueue_dma source(%arg2 : memref<12800xf32, #tpu.memory_space<hbm>>) target(%dma_start3A_52 : memref<12800xf32, #tpu.memory_space<vmem>>) target_semaphore(%arg5 : memref<!tpu.dma_semaphore, #tpu.memory_space<semaphore_mem>>)
    %dma_start3A_53 = arith.constant 7 : i32
    %dma_start3A_54 = arith.constant 0 : i32
    %dma_start3A_55 = tpu.memref_slice %arg4[%dma_start3A_53, %dma_start3A_54] : memref<8x12800xf32, #tpu.memory_space<vmem>> -> memref<1x12800xf32, #tpu.memory_space<vmem>>
    %dma_start3A_56 = tpu.memref_squeeze %dma_start3A_55 : memref<1x12800xf32, #tpu.memory_space<vmem>> -> memref<12800xf32, #tpu.memory_space<vmem>>
    %dma_start3A_57 = arith.constant 0 : i32
    %dma_start3A_58 = tpu.memref_slice %arg4[%dma_start3A_53, %dma_start3A_57] : memref<8x12800xf32, #tpu.memory_space<vmem>> -> memref<1x12800xf32, #tpu.memory_space<vmem>>
    %dma_start3A_59 = tpu.memref_squeeze %dma_start3A_58 : memref<1x12800xf32, #tpu.memory_space<vmem>> -> memref<12800xf32, #tpu.memory_space<vmem>>
    tpu.enqueue_dma source(%arg2 : memref<12800xf32, #tpu.memory_space<hbm>>) target(%dma_start3A_59 : memref<12800xf32, #tpu.memory_space<vmem>>) target_semaphore(%arg5 : memref<!tpu.dma_semaphore, #tpu.memory_space<semaphore_mem>>)
    %dma_wait3A = arith.constant 0 : i32
    %dma_wait3A_60 = arith.constant 0 : i32
    %dma_wait3A_61 = tpu.memref_slice %arg4[%dma_wait3A, %dma_wait3A_60] : memref<8x12800xf32, #tpu.memory_space<vmem>> -> memref<1x12800xf32, #tpu.memory_space<vmem>>
    %dma_wait3A_62 = tpu.memref_squeeze %dma_wait3A_61 : memref<1x12800xf32, #tpu.memory_space<vmem>> -> memref<12800xf32, #tpu.memory_space<vmem>>
    %dma_wait3A_63 = arith.constant 0 : i32
    %dma_wait3A_64 = tpu.memref_slice %arg4[%dma_wait3A, %dma_wait3A_63] : memref<8x12800xf32, #tpu.memory_space<vmem>> -> memref<1x12800xf32, #tpu.memory_space<vmem>>
    %dma_wait3A_65 = tpu.memref_squeeze %dma_wait3A_64 : memref<1x12800xf32, #tpu.memory_space<vmem>> -> memref<12800xf32, #tpu.memory_space<vmem>>
    tpu.wait_dma2 semaphore(%arg5 : memref<!tpu.dma_semaphore, #tpu.memory_space<semaphore_mem>>) src(%arg2 : memref<12800xf32, #tpu.memory_space<hbm>>) dst(%dma_wait3A_65 : memref<12800xf32, #tpu.memory_space<vmem>>)
    %dma_wait3A_66 = arith.constant 1 : i32
    %dma_wait3A_67 = arith.constant 0 : i32
    %dma_wait3A_68 = tpu.memref_slice %arg4[%dma_wait3A_66, %dma_wait3A_67] : memref<8x12800xf32, #tpu.memory_space<vmem>> -> memref<1x12800xf32, #tpu.memory_space<vmem>>
    %dma_wait3A_69 = tpu.memref_squeeze %dma_wait3A_68 : memref<1x12800xf32, #tpu.memory_space<vmem>> -> memref<12800xf32, #tpu.memory_space<vmem>>
    %dma_wait3A_70 = arith.constant 0 : i32
    %dma_wait3A_71 = tpu.memref_slice %arg4[%dma_wait3A_66, %dma_wait3A_70] : memref<8x12800xf32, #tpu.memory_space<vmem>> -> memref<1x12800xf32, #tpu.memory_space<vmem>>
    %dma_wait3A_72 = tpu.memref_squeeze %dma_wait3A_71 : memref<1x12800xf32, #tpu.memory_space<vmem>> -> memref<12800xf32, #tpu.memory_space<vmem>>
    tpu.wait_dma2 semaphore(%arg5 : memref<!tpu.dma_semaphore, #tpu.memory_space<semaphore_mem>>) src(%arg2 : memref<12800xf32, #tpu.memory_space<hbm>>) dst(%dma_wait3A_72 : memref<12800xf32, #tpu.memory_space<vmem>>)
    %dma_wait3A_73 = arith.constant 2 : i32
    %dma_wait3A_74 = arith.constant 0 : i32
    %dma_wait3A_75 = tpu.memref_slice %arg4[%dma_wait3A_73, %dma_wait3A_74] : memref<8x12800xf32, #tpu.memory_space<vmem>> -> memref<1x12800xf32, #tpu.memory_space<vmem>>
    %dma_wait3A_76 = tpu.memref_squeeze %dma_wait3A_75 : memref<1x12800xf32, #tpu.memory_space<vmem>> -> memref<12800xf32, #tpu.memory_space<vmem>>
    %dma_wait3A_77 = arith.constant 0 : i32
    %dma_wait3A_78 = tpu.memref_slice %arg4[%dma_wait3A_73, %dma_wait3A_77] : memref<8x12800xf32, #tpu.memory_space<vmem>> -> memref<1x12800xf32, #tpu.memory_space<vmem>>
    %dma_wait3A_79 = tpu.memref_squeeze %dma_wait3A_78 : memref<1x12800xf32, #tpu.memory_space<vmem>> -> memref<12800xf32, #tpu.memory_space<vmem>>
    tpu.wait_dma2 semaphore(%arg5 : memref<!tpu.dma_semaphore, #tpu.memory_space<semaphore_mem>>) src(%arg2 : memref<12800xf32, #tpu.memory_space<hbm>>) dst(%dma_wait3A_79 : memref<12800xf32, #tpu.memory_space<vmem>>)
    %dma_wait3A_80 = arith.constant 3 : i32
    %dma_wait3A_81 = arith.constant 0 : i32
    %dma_wait3A_82 = tpu.memref_slice %arg4[%dma_wait3A_80, %dma_wait3A_81] : memref<8x12800xf32, #tpu.memory_space<vmem>> -> memref<1x12800xf32, #tpu.memory_space<vmem>>
    %dma_wait3A_83 = tpu.memref_squeeze %dma_wait3A_82 : memref<1x12800xf32, #tpu.memory_space<vmem>> -> memref<12800xf32, #tpu.memory_space<vmem>>
    %dma_wait3A_84 = arith.constant 0 : i32
    %dma_wait3A_85 = tpu.memref_slice %arg4[%dma_wait3A_80, %dma_wait3A_84] : memref<8x12800xf32, #tpu.memory_space<vmem>> -> memref<1x12800xf32, #tpu.memory_space<vmem>>
    %dma_wait3A_86 = tpu.memref_squeeze %dma_wait3A_85 : memref<1x12800xf32, #tpu.memory_space<vmem>> -> memref<12800xf32, #tpu.memory_space<vmem>>
    tpu.wait_dma2 semaphore(%arg5 : memref<!tpu.dma_semaphore, #tpu.memory_space<semaphore_mem>>) src(%arg2 : memref<12800xf32, #tpu.memory_space<hbm>>) dst(%dma_wait3A_86 : memref<12800xf32, #tpu.memory_space<vmem>>)
    %dma_wait3A_87 = arith.constant 4 : i32
    %dma_wait3A_88 = arith.constant 0 : i32
    %dma_wait3A_89 = tpu.memref_slice %arg4[%dma_wait3A_87, %dma_wait3A_88] : memref<8x12800xf32, #tpu.memory_space<vmem>> -> memref<1x12800xf32, #tpu.memory_space<vmem>>
    %dma_wait3A_90 = tpu.memref_squeeze %dma_wait3A_89 : memref<1x12800xf32, #tpu.memory_space<vmem>> -> memref<12800xf32, #tpu.memory_space<vmem>>
    %dma_wait3A_91 = arith.constant 0 : i32
    %dma_wait3A_92 = tpu.memref_slice %arg4[%dma_wait3A_87, %dma_wait3A_91] : memref<8x12800xf32, #tpu.memory_space<vmem>> -> memref<1x12800xf32, #tpu.memory_space<vmem>>
    %dma_wait3A_93 = tpu.memref_squeeze %dma_wait3A_92 : memref<1x12800xf32, #tpu.memory_space<vmem>> -> memref<12800xf32, #tpu.memory_space<vmem>>
    tpu.wait_dma2 semaphore(%arg5 : memref<!tpu.dma_semaphore, #tpu.memory_space<semaphore_mem>>) src(%arg2 : memref<12800xf32, #tpu.memory_space<hbm>>) dst(%dma_wait3A_93 : memref<12800xf32, #tpu.memory_space<vmem>>)
    %dma_wait3A_94 = arith.constant 5 : i32
    %dma_wait3A_95 = arith.constant 0 : i32
    %dma_wait3A_96 = tpu.memref_slice %arg4[%dma_wait3A_94, %dma_wait3A_95] : memref<8x12800xf32, #tpu.memory_space<vmem>> -> memref<1x12800xf32, #tpu.memory_space<vmem>>
    %dma_wait3A_97 = tpu.memref_squeeze %dma_wait3A_96 : memref<1x12800xf32, #tpu.memory_space<vmem>> -> memref<12800xf32, #tpu.memory_space<vmem>>
    %dma_wait3A_98 = arith.constant 0 : i32
    %dma_wait3A_99 = tpu.memref_slice %arg4[%dma_wait3A_94, %dma_wait3A_98] : memref<8x12800xf32, #tpu.memory_space<vmem>> -> memref<1x12800xf32, #tpu.memory_space<vmem>>
    %dma_wait3A_100 = tpu.memref_squeeze %dma_wait3A_99 : memref<1x12800xf32, #tpu.memory_space<vmem>> -> memref<12800xf32, #tpu.memory_space<vmem>>
    tpu.wait_dma2 semaphore(%arg5 : memref<!tpu.dma_semaphore, #tpu.memory_space<semaphore_mem>>) src(%arg2 : memref<12800xf32, #tpu.memory_space<hbm>>) dst(%dma_wait3A_100 : memref<12800xf32, #tpu.memory_space<vmem>>)
    %dma_wait3A_101 = arith.constant 6 : i32
    %dma_wait3A_102 = arith.constant 0 : i32
    %dma_wait3A_103 = tpu.memref_slice %arg4[%dma_wait3A_101, %dma_wait3A_102] : memref<8x12800xf32, #tpu.memory_space<vmem>> -> memref<1x12800xf32, #tpu.memory_space<vmem>>
    %dma_wait3A_104 = tpu.memref_squeeze %dma_wait3A_103 : memref<1x12800xf32, #tpu.memory_space<vmem>> -> memref<12800xf32, #tpu.memory_space<vmem>>
    %dma_wait3A_105 = arith.constant 0 : i32
    %dma_wait3A_106 = tpu.memref_slice %arg4[%dma_wait3A_101, %dma_wait3A_105] : memref<8x12800xf32, #tpu.memory_space<vmem>> -> memref<1x12800xf32, #tpu.memory_space<vmem>>
    %dma_wait3A_107 = tpu.memref_squeeze %dma_wait3A_106 : memref<1x12800xf32, #tpu.memory_space<vmem>> -> memref<12800xf32, #tpu.memory_space<vmem>>
    tpu.wait_dma2 semaphore(%arg5 : memref<!tpu.dma_semaphore, #tpu.memory_space<semaphore_mem>>) src(%arg2 : memref<12800xf32, #tpu.memory_space<hbm>>) dst(%dma_wait3A_107 : memref<12800xf32, #tpu.memory_space<vmem>>)
    %dma_wait3A_108 = arith.constant 7 : i32
    %dma_wait3A_109 = arith.constant 0 : i32
    %dma_wait3A_110 = tpu.memref_slice %arg4[%dma_wait3A_108, %dma_wait3A_109] : memref<8x12800xf32, #tpu.memory_space<vmem>> -> memref<1x12800xf32, #tpu.memory_space<vmem>>
    %dma_wait3A_111 = tpu.memref_squeeze %dma_wait3A_110 : memref<1x12800xf32, #tpu.memory_space<vmem>> -> memref<12800xf32, #tpu.memory_space<vmem>>
    %dma_wait3A_112 = arith.constant 0 : i32
    %dma_wait3A_113 = tpu.memref_slice %arg4[%dma_wait3A_108, %dma_wait3A_112] : memref<8x12800xf32, #tpu.memory_space<vmem>> -> memref<1x12800xf32, #tpu.memory_space<vmem>>
    %dma_wait3A_114 = tpu.memref_squeeze %dma_wait3A_113 : memref<1x12800xf32, #tpu.memory_space<vmem>> -> memref<12800xf32, #tpu.memory_space<vmem>>
    tpu.wait_dma2 semaphore(%arg5 : memref<!tpu.dma_semaphore, #tpu.memory_space<semaphore_mem>>) src(%arg2 : memref<12800xf32, #tpu.memory_space<hbm>>) dst(%dma_wait3A_114 : memref<12800xf32, #tpu.memory_space<vmem>>)
    %add3A_115 = arith.constant 0 : i32
    %add3A_116 = arith.addi %add3A_4, %add3A_115 : i32
    %dma_start3A_117 = arith.constant 0 : i32
    %dma_start3A_118 = tpu.memref_slice %arg3[%add3A_116, %dma_start3A_117] : memref<4096x12800xf32, #tpu.memory_space<hbm>> -> memref<8x12800xf32, #tpu.memory_space<hbm>>
    %dma_start3A_119 = arith.constant 0 : i32
    %dma_start3A_120 = tpu.memref_slice %arg3[%add3A_116, %dma_start3A_119] : memref<4096x12800xf32, #tpu.memory_space<hbm>> -> memref<8x12800xf32, #tpu.memory_space<hbm>>
    tpu.enqueue_dma source(%arg4 : memref<8x12800xf32, #tpu.memory_space<vmem>>) target(%dma_start3A_120 : memref<8x12800xf32, #tpu.memory_space<hbm>>) target_semaphore(%arg5 : memref<!tpu.dma_semaphore, #tpu.memory_space<semaphore_mem>>)
    %add3A_121 = arith.constant 8 : i32
    %add3A_122 = arith.addi %add3A_4, %add3A_121 : i32
    %dma_start3A_123 = arith.constant 0 : i32
    %dma_start3A_124 = tpu.memref_slice %arg3[%add3A_122, %dma_start3A_123] : memref<4096x12800xf32, #tpu.memory_space<hbm>> -> memref<8x12800xf32, #tpu.memory_space<hbm>>
    %dma_start3A_125 = arith.constant 0 : i32
    %dma_start3A_126 = tpu.memref_slice %arg3[%add3A_122, %dma_start3A_125] : memref<4096x12800xf32, #tpu.memory_space<hbm>> -> memref<8x12800xf32, #tpu.memory_space<hbm>>
    tpu.enqueue_dma source(%arg4 : memref<8x12800xf32, #tpu.memory_space<vmem>>) target(%dma_start3A_126 : memref<8x12800xf32, #tpu.memory_space<hbm>>) target_semaphore(%arg5 : memref<!tpu.dma_semaphore, #tpu.memory_space<semaphore_mem>>)
    %add3A_127 = arith.constant 16 : i32
    %add3A_128 = arith.addi %add3A_4, %add3A_127 : i32
    %dma_start3A_129 = arith.constant 0 : i32
    %dma_start3A_130 = tpu.memref_slice %arg3[%add3A_128, %dma_start3A_129] : memref<4096x12800xf32, #tpu.memory_space<hbm>> -> memref<8x12800xf32, #tpu.memory_space<hbm>>
    %dma_start3A_131 = arith.constant 0 : i32
    %dma_start3A_132 = tpu.memref_slice %arg3[%add3A_128, %dma_start3A_131] : memref<4096x12800xf32, #tpu.memory_space<hbm>> -> memref<8x12800xf32, #tpu.memory_space<hbm>>
    tpu.enqueue_dma source(%arg4 : memref<8x12800xf32, #tpu.memory_space<vmem>>) target(%dma_start3A_132 : memref<8x12800xf32, #tpu.memory_space<hbm>>) target_semaphore(%arg5 : memref<!tpu.dma_semaphore, #tpu.memory_space<semaphore_mem>>)
    %add3A_133 = arith.constant 24 : i32
    %add3A_134 = arith.addi %add3A_4, %add3A_133 : i32
    %dma_start3A_135 = arith.constant 0 : i32
    %dma_start3A_136 = tpu.memref_slice %arg3[%add3A_134, %dma_start3A_135] : memref<4096x12800xf32, #tpu.memory_space<hbm>> -> memref<8x12800xf32, #tpu.memory_space<hbm>>
    %dma_start3A_137 = arith.constant 0 : i32
    %dma_start3A_138 = tpu.memref_slice %arg3[%add3A_134, %dma_start3A_137] : memref<4096x12800xf32, #tpu.memory_space<hbm>> -> memref<8x12800xf32, #tpu.memory_space<hbm>>
    tpu.enqueue_dma source(%arg4 : memref<8x12800xf32, #tpu.memory_space<vmem>>) target(%dma_start3A_138 : memref<8x12800xf32, #tpu.memory_space<hbm>>) target_semaphore(%arg5 : memref<!tpu.dma_semaphore, #tpu.memory_space<semaphore_mem>>)
    %add3A_139 = arith.constant 32 : i32
    %add3A_140 = arith.addi %add3A_4, %add3A_139 : i32
    %dma_start3A_141 = arith.constant 0 : i32
    %dma_start3A_142 = tpu.memref_slice %arg3[%add3A_140, %dma_start3A_141] : memref<4096x12800xf32, #tpu.memory_space<hbm>> -> memref<8x12800xf32, #tpu.memory_space<hbm>>
    %dma_start3A_143 = arith.constant 0 : i32
    %dma_start3A_144 = tpu.memref_slice %arg3[%add3A_140, %dma_start3A_143] : memref<4096x12800xf32, #tpu.memory_space<hbm>> -> memref<8x12800xf32, #tpu.memory_space<hbm>>
    tpu.enqueue_dma source(%arg4 : memref<8x12800xf32, #tpu.memory_space<vmem>>) target(%dma_start3A_144 : memref<8x12800xf32, #tpu.memory_space<hbm>>) target_semaphore(%arg5 : memref<!tpu.dma_semaphore, #tpu.memory_space<semaphore_mem>>)
    %add3A_145 = arith.constant 40 : i32
    %add3A_146 = arith.addi %add3A_4, %add3A_145 : i32
    %dma_start3A_147 = arith.constant 0 : i32
    %dma_start3A_148 = tpu.memref_slice %arg3[%add3A_146, %dma_start3A_147] : memref<4096x12800xf32, #tpu.memory_space<hbm>> -> memref<8x12800xf32, #tpu.memory_space<hbm>>
    %dma_start3A_149 = arith.constant 0 : i32
    %dma_start3A_150 = tpu.memref_slice %arg3[%add3A_146, %dma_start3A_149] : memref<4096x12800xf32, #tpu.memory_space<hbm>> -> memref<8x12800xf32, #tpu.memory_space<hbm>>
    tpu.enqueue_dma source(%arg4 : memref<8x12800xf32, #tpu.memory_space<vmem>>) target(%dma_start3A_150 : memref<8x12800xf32, #tpu.memory_space<hbm>>) target_semaphore(%arg5 : memref<!tpu.dma_semaphore, #tpu.memory_space<semaphore_mem>>)
    %add3A_151 = arith.constant 48 : i32
    %add3A_152 = arith.addi %add3A_4, %add3A_151 : i32
    %dma_start3A_153 = arith.constant 0 : i32
    %dma_start3A_154 = tpu.memref_slice %arg3[%add3A_152, %dma_start3A_153] : memref<4096x12800xf32, #tpu.memory_space<hbm>> -> memref<8x12800xf32, #tpu.memory_space<hbm>>
    %dma_start3A_155 = arith.constant 0 : i32
    %dma_start3A_156 = tpu.memref_slice %arg3[%add3A_152, %dma_start3A_155] : memref<4096x12800xf32, #tpu.memory_space<hbm>> -> memref<8x12800xf32, #tpu.memory_space<hbm>>
    tpu.enqueue_dma source(%arg4 : memref<8x12800xf32, #tpu.memory_space<vmem>>) target(%dma_start3A_156 : memref<8x12800xf32, #tpu.memory_space<hbm>>) target_semaphore(%arg5 : memref<!tpu.dma_semaphore, #tpu.memory_space<semaphore_mem>>)
    %add3A_157 = arith.constant 56 : i32
    %add3A_158 = arith.addi %add3A_4, %add3A_157 : i32
    %dma_start3A_159 = arith.constant 0 : i32
    %dma_start3A_160 = tpu.memref_slice %arg3[%add3A_158, %dma_start3A_159] : memref<4096x12800xf32, #tpu.memory_space<hbm>> -> memref<8x12800xf32, #tpu.memory_space<hbm>>
    %dma_start3A_161 = arith.constant 0 : i32
    %dma_start3A_162 = tpu.memref_slice %arg3[%add3A_158, %dma_start3A_161] : memref<4096x12800xf32, #tpu.memory_space<hbm>> -> memref<8x12800xf32, #tpu.memory_space<hbm>>
    tpu.enqueue_dma source(%arg4 : memref<8x12800xf32, #tpu.memory_space<vmem>>) target(%dma_start3A_162 : memref<8x12800xf32, #tpu.memory_space<hbm>>) target_semaphore(%arg5 : memref<!tpu.dma_semaphore, #tpu.memory_space<semaphore_mem>>)
    %dma_wait3A_163 = arith.constant 0 : i32
    %dma_wait3A_164 = tpu.memref_slice %arg3[%add3A_116, %dma_wait3A_163] : memref<4096x12800xf32, #tpu.memory_space<hbm>> -> memref<8x12800xf32, #tpu.memory_space<hbm>>
    %dma_wait3A_165 = arith.constant 0 : i32
    %dma_wait3A_166 = tpu.memref_slice %arg3[%add3A_116, %dma_wait3A_165] : memref<4096x12800xf32, #tpu.memory_space<hbm>> -> memref<8x12800xf32, #tpu.memory_space<hbm>>
    tpu.wait_dma2 semaphore(%arg5 : memref<!tpu.dma_semaphore, #tpu.memory_space<semaphore_mem>>) src(%arg4 : memref<8x12800xf32, #tpu.memory_space<vmem>>) dst(%dma_wait3A_166 : memref<8x12800xf32, #tpu.memory_space<hbm>>)
    %dma_wait3A_167 = arith.constant 0 : i32
    %dma_wait3A_168 = tpu.memref_slice %arg3[%add3A_122, %dma_wait3A_167] : memref<4096x12800xf32, #tpu.memory_space<hbm>> -> memref<8x12800xf32, #tpu.memory_space<hbm>>
    %dma_wait3A_169 = arith.constant 0 : i32
    %dma_wait3A_170 = tpu.memref_slice %arg3[%add3A_122, %dma_wait3A_169] : memref<4096x12800xf32, #tpu.memory_space<hbm>> -> memref<8x12800xf32, #tpu.memory_space<hbm>>
    tpu.wait_dma2 semaphore(%arg5 : memref<!tpu.dma_semaphore, #tpu.memory_space<semaphore_mem>>) src(%arg4 : memref<8x12800xf32, #tpu.memory_space<vmem>>) dst(%dma_wait3A_170 : memref<8x12800xf32, #tpu.memory_space<hbm>>)
    %dma_wait3A_171 = arith.constant 0 : i32
    %dma_wait3A_172 = tpu.memref_slice %arg3[%add3A_128, %dma_wait3A_171] : memref<4096x12800xf32, #tpu.memory_space<hbm>> -> memref<8x12800xf32, #tpu.memory_space<hbm>>
    %dma_wait3A_173 = arith.constant 0 : i32
    %dma_wait3A_174 = tpu.memref_slice %arg3[%add3A_128, %dma_wait3A_173] : memref<4096x12800xf32, #tpu.memory_space<hbm>> -> memref<8x12800xf32, #tpu.memory_space<hbm>>
    tpu.wait_dma2 semaphore(%arg5 : memref<!tpu.dma_semaphore, #tpu.memory_space<semaphore_mem>>) src(%arg4 : memref<8x12800xf32, #tpu.memory_space<vmem>>) dst(%dma_wait3A_174 : memref<8x12800xf32, #tpu.memory_space<hbm>>)
    %dma_wait3A_175 = arith.constant 0 : i32
    %dma_wait3A_176 = tpu.memref_slice %arg3[%add3A_134, %dma_wait3A_175] : memref<4096x12800xf32, #tpu.memory_space<hbm>> -> memref<8x12800xf32, #tpu.memory_space<hbm>>
    %dma_wait3A_177 = arith.constant 0 : i32
    %dma_wait3A_178 = tpu.memref_slice %arg3[%add3A_134, %dma_wait3A_177] : memref<4096x12800xf32, #tpu.memory_space<hbm>> -> memref<8x12800xf32, #tpu.memory_space<hbm>>
    tpu.wait_dma2 semaphore(%arg5 : memref<!tpu.dma_semaphore, #tpu.memory_space<semaphore_mem>>) src(%arg4 : memref<8x12800xf32, #tpu.memory_space<vmem>>) dst(%dma_wait3A_178 : memref<8x12800xf32, #tpu.memory_space<hbm>>)
    %dma_wait3A_179 = arith.constant 0 : i32
    %dma_wait3A_180 = tpu.memref_slice %arg3[%add3A_140, %dma_wait3A_179] : memref<4096x12800xf32, #tpu.memory_space<hbm>> -> memref<8x12800xf32, #tpu.memory_space<hbm>>
    %dma_wait3A_181 = arith.constant 0 : i32
    %dma_wait3A_182 = tpu.memref_slice %arg3[%add3A_140, %dma_wait3A_181] : memref<4096x12800xf32, #tpu.memory_space<hbm>> -> memref<8x12800xf32, #tpu.memory_space<hbm>>
    tpu.wait_dma2 semaphore(%arg5 : memref<!tpu.dma_semaphore, #tpu.memory_space<semaphore_mem>>) src(%arg4 : memref<8x12800xf32, #tpu.memory_space<vmem>>) dst(%dma_wait3A_182 : memref<8x12800xf32, #tpu.memory_space<hbm>>)
    %dma_wait3A_183 = arith.constant 0 : i32
    %dma_wait3A_184 = tpu.memref_slice %arg3[%add3A_146, %dma_wait3A_183] : memref<4096x12800xf32, #tpu.memory_space<hbm>> -> memref<8x12800xf32, #tpu.memory_space<hbm>>
    %dma_wait3A_185 = arith.constant 0 : i32
    %dma_wait3A_186 = tpu.memref_slice %arg3[%add3A_146, %dma_wait3A_185] : memref<4096x12800xf32, #tpu.memory_space<hbm>> -> memref<8x12800xf32, #tpu.memory_space<hbm>>
    tpu.wait_dma2 semaphore(%arg5 : memref<!tpu.dma_semaphore, #tpu.memory_space<semaphore_mem>>) src(%arg4 : memref<8x12800xf32, #tpu.memory_space<vmem>>) dst(%dma_wait3A_186 : memref<8x12800xf32, #tpu.memory_space<hbm>>)
    %dma_wait3A_187 = arith.constant 0 : i32
    %dma_wait3A_188 = tpu.memref_slice %arg3[%add3A_152, %dma_wait3A_187] : memref<4096x12800xf32, #tpu.memory_space<hbm>> -> memref<8x12800xf32, #tpu.memory_space<hbm>>
    %dma_wait3A_189 = arith.constant 0 : i32
    %dma_wait3A_190 = tpu.memref_slice %arg3[%add3A_152, %dma_wait3A_189] : memref<4096x12800xf32, #tpu.memory_space<hbm>> -> memref<8x12800xf32, #tpu.memory_space<hbm>>
    tpu.wait_dma2 semaphore(%arg5 : memref<!tpu.dma_semaphore, #tpu.memory_space<semaphore_mem>>) src(%arg4 : memref<8x12800xf32, #tpu.memory_space<vmem>>) dst(%dma_wait3A_190 : memref<8x12800xf32, #tpu.memory_space<hbm>>)
    %dma_wait3A_191 = arith.constant 0 : i32
    %dma_wait3A_192 = tpu.memref_slice %arg3[%add3A_158, %dma_wait3A_191] : memref<4096x12800xf32, #tpu.memory_space<hbm>> -> memref<8x12800xf32, #tpu.memory_space<hbm>>
    %dma_wait3A_193 = arith.constant 0 : i32
    %dma_wait3A_194 = tpu.memref_slice %arg3[%add3A_158, %dma_wait3A_193] : memref<4096x12800xf32, #tpu.memory_space<hbm>> -> memref<8x12800xf32, #tpu.memory_space<hbm>>
    tpu.wait_dma2 semaphore(%arg5 : memref<!tpu.dma_semaphore, #tpu.memory_space<semaphore_mem>>) src(%arg4 : memref<8x12800xf32, #tpu.memory_space<vmem>>) dst(%dma_wait3A_194 : memref<8x12800xf32, #tpu.memory_space<hbm>>)
    return
  }
}

module attributes {stable_mosaic.version = 14 : i64} {
  func.func @_tc_body(%arg0: memref<4096x12800xf32, #tpu.memory_space<any>>, %arg1: memref<1x12800xf32, #tpu.memory_space<vmem>>, %arg2: memref<4096x12800xf32, #tpu.memory_space<any>>, %arg3: memref<256x12800xf32, #tpu.memory_space<vmem>>, %arg4: memref<!tpu.dma_semaphore, #tpu.memory_space<semaphore_mem>>) attributes {dimension_semantics = [], scalar_prefetch = 0 : i64, scratch_operands = 2 : i64, tpu.core_type = #tpu.core_type<tc>} {
    %get3A = arith.constant 0 : index
    %get3A_0 = arith.constant 0 : index
    %get3A_1 = vector.load %arg1[%get3A, %get3A_0] : memref<1x12800xf32, #tpu.memory_space<vmem>>, vector<1x12800xf32>
    %broadcast_in_dim3A = vector.shape_cast %get3A_1 : vector<1x12800xf32> to vector<1x12800xf32>
    %broadcast_in_dim3A_2 = vector.broadcast %broadcast_in_dim3A : vector<1x12800xf32> to vector<256x12800xf32>
    %swap3A = arith.constant 0 : index
    %swap3A_3 = arith.constant 0 : index
    %swap3A_4 = vector.load %arg3[%swap3A, %swap3A_3] : memref<256x12800xf32, #tpu.memory_space<vmem>>, vector<256x12800xf32>
    tpu.vector_store %arg3[%swap3A, %swap3A_3], %broadcast_in_dim3A_2 {strides = array<i32>} : memref<256x12800xf32, #tpu.memory_space<vmem>>, vector<256x12800xf32>,
    %dma_start3A = arith.constant 0 : i32
    %dma_start3A_5 = arith.constant 0 : i32
    %dma_start3A_6 = tpu.memref_slice %arg2[%dma_start3A, %dma_start3A_5] : memref<4096x12800xf32, #tpu.memory_space<any>> -> memref<256x12800xf32, #tpu.memory_space<any>>
    tpu.enqueue_dma source(%arg3 : memref<256x12800xf32, #tpu.memory_space<vmem>>) target(%dma_start3A_6 : memref<256x12800xf32, #tpu.memory_space<any>>) target_semaphore(%arg4 : memref<!tpu.dma_semaphore, #tpu.memory_space<semaphore_mem>>)
    %dma_start3A_7 = arith.constant 256 : i32
    %dma_start3A_8 = arith.constant 0 : i32
    %dma_start3A_9 = tpu.memref_slice %arg2[%dma_start3A_7, %dma_start3A_8] : memref<4096x12800xf32, #tpu.memory_space<any>> -> memref<256x12800xf32, #tpu.memory_space<any>>
    tpu.enqueue_dma source(%arg3 : memref<256x12800xf32, #tpu.memory_space<vmem>>) target(%dma_start3A_9 : memref<256x12800xf32, #tpu.memory_space<any>>) target_semaphore(%arg4 : memref<!tpu.dma_semaphore, #tpu.memory_space<semaphore_mem>>)
    %dma_start3A_10 = arith.constant 512 : i32
    %dma_start3A_11 = arith.constant 0 : i32
    %dma_start3A_12 = tpu.memref_slice %arg2[%dma_start3A_10, %dma_start3A_11] : memref<4096x12800xf32, #tpu.memory_space<any>> -> memref<256x12800xf32, #tpu.memory_space<any>>
    tpu.enqueue_dma source(%arg3 : memref<256x12800xf32, #tpu.memory_space<vmem>>) target(%dma_start3A_12 : memref<256x12800xf32, #tpu.memory_space<any>>) target_semaphore(%arg4 : memref<!tpu.dma_semaphore, #tpu.memory_space<semaphore_mem>>)
    %dma_start3A_13 = arith.constant 768 : i32
    %dma_start3A_14 = arith.constant 0 : i32
    %dma_start3A_15 = tpu.memref_slice %arg2[%dma_start3A_13, %dma_start3A_14] : memref<4096x12800xf32, #tpu.memory_space<any>> -> memref<256x12800xf32, #tpu.memory_space<any>>
    tpu.enqueue_dma source(%arg3 : memref<256x12800xf32, #tpu.memory_space<vmem>>) target(%dma_start3A_15 : memref<256x12800xf32, #tpu.memory_space<any>>) target_semaphore(%arg4 : memref<!tpu.dma_semaphore, #tpu.memory_space<semaphore_mem>>)
    %dma_start3A_16 = arith.constant 1024 : i32
    %dma_start3A_17 = arith.constant 0 : i32
    %dma_start3A_18 = tpu.memref_slice %arg2[%dma_start3A_16, %dma_start3A_17] : memref<4096x12800xf32, #tpu.memory_space<any>> -> memref<256x12800xf32, #tpu.memory_space<any>>
    tpu.enqueue_dma source(%arg3 : memref<256x12800xf32, #tpu.memory_space<vmem>>) target(%dma_start3A_18 : memref<256x12800xf32, #tpu.memory_space<any>>) target_semaphore(%arg4 : memref<!tpu.dma_semaphore, #tpu.memory_space<semaphore_mem>>)
    %dma_start3A_19 = arith.constant 1280 : i32
    %dma_start3A_20 = arith.constant 0 : i32
    %dma_start3A_21 = tpu.memref_slice %arg2[%dma_start3A_19, %dma_start3A_20] : memref<4096x12800xf32, #tpu.memory_space<any>> -> memref<256x12800xf32, #tpu.memory_space<any>>
    tpu.enqueue_dma source(%arg3 : memref<256x12800xf32, #tpu.memory_space<vmem>>) target(%dma_start3A_21 : memref<256x12800xf32, #tpu.memory_space<any>>) target_semaphore(%arg4 : memref<!tpu.dma_semaphore, #tpu.memory_space<semaphore_mem>>)
    %dma_start3A_22 = arith.constant 1536 : i32
    %dma_start3A_23 = arith.constant 0 : i32
    %dma_start3A_24 = tpu.memref_slice %arg2[%dma_start3A_22, %dma_start3A_23] : memref<4096x12800xf32, #tpu.memory_space<any>> -> memref<256x12800xf32, #tpu.memory_space<any>>
    tpu.enqueue_dma source(%arg3 : memref<256x12800xf32, #tpu.memory_space<vmem>>) target(%dma_start3A_24 : memref<256x12800xf32, #tpu.memory_space<any>>) target_semaphore(%arg4 : memref<!tpu.dma_semaphore, #tpu.memory_space<semaphore_mem>>)
    %dma_start3A_25 = arith.constant 1792 : i32
    %dma_start3A_26 = arith.constant 0 : i32
    %dma_start3A_27 = tpu.memref_slice %arg2[%dma_start3A_25, %dma_start3A_26] : memref<4096x12800xf32, #tpu.memory_space<any>> -> memref<256x12800xf32, #tpu.memory_space<any>>
    tpu.enqueue_dma source(%arg3 : memref<256x12800xf32, #tpu.memory_space<vmem>>) target(%dma_start3A_27 : memref<256x12800xf32, #tpu.memory_space<any>>) target_semaphore(%arg4 : memref<!tpu.dma_semaphore, #tpu.memory_space<semaphore_mem>>)
    %dma_wait3A = arith.constant 0 : i32
    %dma_wait3A_28 = arith.constant 0 : i32
    %dma_wait3A_29 = tpu.memref_slice %arg2[%dma_wait3A, %dma_wait3A_28] : memref<4096x12800xf32, #tpu.memory_space<any>> -> memref<256x12800xf32, #tpu.memory_space<any>>
    tpu.wait_dma2 semaphore(%arg4 : memref<!tpu.dma_semaphore, #tpu.memory_space<semaphore_mem>>) src(%arg3 : memref<256x12800xf32, #tpu.memory_space<vmem>>) dst(%dma_wait3A_29 : memref<256x12800xf32, #tpu.memory_space<any>>)
    %dma_wait3A_30 = arith.constant 256 : i32
    %dma_wait3A_31 = arith.constant 0 : i32
    %dma_wait3A_32 = tpu.memref_slice %arg2[%dma_wait3A_30, %dma_wait3A_31] : memref<4096x12800xf32, #tpu.memory_space<any>> -> memref<256x12800xf32, #tpu.memory_space<any>>
    tpu.wait_dma2 semaphore(%arg4 : memref<!tpu.dma_semaphore, #tpu.memory_space<semaphore_mem>>) src(%arg3 : memref<256x12800xf32, #tpu.memory_space<vmem>>) dst(%dma_wait3A_32 : memref<256x12800xf32, #tpu.memory_space<any>>)
    %dma_wait3A_33 = arith.constant 512 : i32
    %dma_wait3A_34 = arith.constant 0 : i32
    %dma_wait3A_35 = tpu.memref_slice %arg2[%dma_wait3A_33, %dma_wait3A_34] : memref<4096x12800xf32, #tpu.memory_space<any>> -> memref<256x12800xf32, #tpu.memory_space<any>>
    tpu.wait_dma2 semaphore(%arg4 : memref<!tpu.dma_semaphore, #tpu.memory_space<semaphore_mem>>) src(%arg3 : memref<256x12800xf32, #tpu.memory_space<vmem>>) dst(%dma_wait3A_35 : memref<256x12800xf32, #tpu.memory_space<any>>)
    %dma_wait3A_36 = arith.constant 768 : i32
    %dma_wait3A_37 = arith.constant 0 : i32
    %dma_wait3A_38 = tpu.memref_slice %arg2[%dma_wait3A_36, %dma_wait3A_37] : memref<4096x12800xf32, #tpu.memory_space<any>> -> memref<256x12800xf32, #tpu.memory_space<any>>
    tpu.wait_dma2 semaphore(%arg4 : memref<!tpu.dma_semaphore, #tpu.memory_space<semaphore_mem>>) src(%arg3 : memref<256x12800xf32, #tpu.memory_space<vmem>>) dst(%dma_wait3A_38 : memref<256x12800xf32, #tpu.memory_space<any>>)
    %dma_wait3A_39 = arith.constant 1024 : i32
    %dma_wait3A_40 = arith.constant 0 : i32
    %dma_wait3A_41 = tpu.memref_slice %arg2[%dma_wait3A_39, %dma_wait3A_40] : memref<4096x12800xf32, #tpu.memory_space<any>> -> memref<256x12800xf32, #tpu.memory_space<any>>
    tpu.wait_dma2 semaphore(%arg4 : memref<!tpu.dma_semaphore, #tpu.memory_space<semaphore_mem>>) src(%arg3 : memref<256x12800xf32, #tpu.memory_space<vmem>>) dst(%dma_wait3A_41 : memref<256x12800xf32, #tpu.memory_space<any>>)
    %dma_wait3A_42 = arith.constant 1280 : i32
    %dma_wait3A_43 = arith.constant 0 : i32
    %dma_wait3A_44 = tpu.memref_slice %arg2[%dma_wait3A_42, %dma_wait3A_43] : memref<4096x12800xf32, #tpu.memory_space<any>> -> memref<256x12800xf32, #tpu.memory_space<any>>
    tpu.wait_dma2 semaphore(%arg4 : memref<!tpu.dma_semaphore, #tpu.memory_space<semaphore_mem>>) src(%arg3 : memref<256x12800xf32, #tpu.memory_space<vmem>>) dst(%dma_wait3A_44 : memref<256x12800xf32, #tpu.memory_space<any>>)
    %dma_wait3A_45 = arith.constant 1536 : i32
    %dma_wait3A_46 = arith.constant 0 : i32
    %dma_wait3A_47 = tpu.memref_slice %arg2[%dma_wait3A_45, %dma_wait3A_46] : memref<4096x12800xf32, #tpu.memory_space<any>> -> memref<256x12800xf32, #tpu.memory_space<any>>
    tpu.wait_dma2 semaphore(%arg4 : memref<!tpu.dma_semaphore, #tpu.memory_space<semaphore_mem>>) src(%arg3 : memref<256x12800xf32, #tpu.memory_space<vmem>>) dst(%dma_wait3A_47 : memref<256x12800xf32, #tpu.memory_space<any>>)
    %dma_wait3A_48 = arith.constant 1792 : i32
    %dma_wait3A_49 = arith.constant 0 : i32
    %dma_wait3A_50 = tpu.memref_slice %arg2[%dma_wait3A_48, %dma_wait3A_49] : memref<4096x12800xf32, #tpu.memory_space<any>> -> memref<256x12800xf32, #tpu.memory_space<any>>
    tpu.wait_dma2 semaphore(%arg4 : memref<!tpu.dma_semaphore, #tpu.memory_space<semaphore_mem>>) src(%arg3 : memref<256x12800xf32, #tpu.memory_space<vmem>>) dst(%dma_wait3A_50 : memref<256x12800xf32, #tpu.memory_space<any>>)
    return
  }
}

</mosaic_0001>

<sc_bundles>
// kernel: kernel.4.cloned.1.call-start
scs
__scs_entry_jumppad:
0x0: {  	(pc) =	sbr.rel $0x88, $3  }
0x1: {  	(tag) =	ssettag $0x0;
	lr =	simm.s32 $0x1  }
0x2: {  	[smem:$0x3FA0] =	sst lr;
	_ =	strace $0xD0000000  }
0x3: {  	_ = 	snop  }
0x4: {  	_ = 	snop  }
0x5: {  	_ = 	snop  }
0x6: {  	_ = 	snop  }
0x7: {  	_ = 	snop  }
__scs_overlays_trampoline_lowered:
0x8: {  	[smem:$0x3FAF] =	sst s0  }
0x9: {  	[smem:$0x3FB0] =	sst s1  }
0xa: {  	[smem:$0x3FB1] =	sst s2  }
0xb: {  	[smem:$0x3FB2] =	sst s3  }
0xc: {  	[smem:$0x3FB3] =	sst s4  }
0xd: {  	[smem:$0x3FB4] =	sst s5  }
0xe: {  	[smem:$0x3FB5] =	sst s6  }
0xf: {  	[smem:$0x3FB6] =	sst s7  }
0x10: {  	[smem:$0x3FB7] =	sst s8  }
0x11: {  	[smem:$0x3FB8] =	sst s9;
	s0 =	simm.s32 @!p0 $0x0  }
0x12: {  	s1 =	sld [smem:$0x3F9E];
	s0 =	simm.s32 @p0 $0x1  }
0x13: {  	[smem:$0x3FB9] =	sst s0;
	s0 =	simm.s32 @!p1 $0x0  }
0x14: {  	s2 =	sld [smem:$0x3F9D];
	s0 =	simm.s32 @p1 $0x1  }
0x15: {  	[smem:$0x3FBA] =	sst s0;
	s0 =	simm.s32 @!p2 $0x0  }
0x16: {  	s3 =	sld [smem:$0x3FDB];
	s0 =	simm.s32 @p2 $0x1  }
0x17: {  	s4 =	simm.s32 $0x1BF5;
	[smem:$0x3FBC] =	sst s0  }
0x18: {  	s0 =	sld [smem:$0x3F9F];
	_ =	swait.ge [sflag:s4], $0x0  }
0x19: {  	s7 =	sld [smem:$0x3FA0]  }
0x1a: {  	s8 =	sadd.s32 $0xFFFFE003, lr  }
0x1b: {  	s9 =	sadd.s32 $0xFFFFFEF7, lr;
	s5 =	simm.s32 $0xFFFFFFFF;
	p2 =	slt.u32 s8, $0xFFFFF086  }
0x1c: {  	p1 =	slt.u32 s9, $0xF7A;
	s5 =	simm.s32 @!p2 $0x0  }
0x1d: {  	s5 =	simm.s32 @p1 $0x1;
	p0 =	seq.s32 s7, s2  }
0x1e: {  	s7 =	smul.u32 @!p0 $0xF7A, s2;
	p2 =	seq.s32 @!p0 s5, $0x0  }
0x1f: {  	s9 =	smul.u32 $0xF7A, s1;
	s8 =	simm.s32 @!p0 $0x1BF5;
	p2 =	por !p2, p0  }
0x20: {  	[sflag:s8] =	ssyncset.s32 @!p0 $0xFFFFF086;
	s6 =	sadd.s32 @!p0 s3, s7;
	s7 =	simm.s32 @!p0 $0x108  }
0x21: {  	s3 =	sadd.s32 s3, s9;
	s6 =	sadd.s32 @!p0 $0x88, s6;
	s7 =	simm.s32 @p2 $0x1082  }
0x22: {  	[simem:s7], [sflag:s8] =	dma.local @!p0 [hbm:s6], $0xF7A  }
0x23: {  	s9 =	sor.u32 $0xD0000000, s2;
	s6 =	simm.s32 $0x108;
	_ =	swait.ge @!p0 [sflag:s8], $0x0  }
0x24: {  	s3 =	sadd.s32 $0x88, s3;
	s6 =	simm.s32 @!p1 $0x1082;
	[sflag:s4] =	ssyncset.s32 $0xFFFFF086  }
0x25: {  	[simem:s6], [sflag:s4] =	dma.local [hbm:s3], $0xF7A  }
0x26: {  	[smem:$0x3FA0] =	sst s1;
	(tag) =	ssettag s2;
	_ =	strace s9  }
0x27: {  	s1 =	sld [smem:$0x3FB0]  }
0x28: {  	s2 =	sld [smem:$0x3FB1]  }
0x29: {  	s4 =	sld [smem:$0x3FB3]  }
0x2a: {  	p0 =	seq.s32 s5, $0x0;
	s5 =	sld [smem:$0x3FB4]  }
0x2b: {  	s6 =	sld [smem:$0x3FB5]  }
0x2c: {  	s7 =	sld [smem:$0x3FB6]  }
0x2d: {  	s3 =	simm.s32 $0x108;
	s8 =	sld [smem:$0x3FB7]  }
0x2e: {  	s3 =	simm.s32 @!p0 $0x1082;
	s9 =	sld [smem:$0x3FB8]  }
0x2f: {  	lr =	sadd.s32 s0, s3;
	s0 =	sld [smem:$0x3FAF]  }
0x30: {  	s3 =	sld [smem:$0x3FB2]  }
0x31: {  	[smem:$0x3FBB] =	sst s10  }
0x32: {  	s10 =	sld [smem:$0x3FB9];
	_ =	sdelay $0x3  }
0x33: {  	p0 =	seq.s32 s10, $0x1;
	s10 =	sld [smem:$0x3FBB];
	_ =	sdelay $0x3  }
0x34: {  	[smem:$0x3FBB] =	sst s10  }
0x35: {  	s10 =	sld [smem:$0x3FBA];
	_ =	sdelay $0x3  }
0x36: {  	p1 =	seq.s32 s10, $0x1;
	s10 =	sld [smem:$0x3FBB];
	_ =	sdelay $0x3  }
0x37: {  	[smem:$0x3FBB] =	sst s10  }
0x38: {  	s10 =	sld [smem:$0x3FBC]  }
0x39: {  	_ = 	snop;
	(pc) =	sbr.ind lr, $3  }
0x3a: {  	_ = 	snop  }
0x3b: {  	_ = 	snop  }
0x3c: {  	p2 =	seq.s32 s10, $0x1;
	s10 =	sld [smem:$0x3FBB]  }
0x3d: {  	_ =	shalt  }
0x3e: {  	_ =	shalt  }
0x3f: {  	_ =	shalt  }
0x40: {  	_ =	shalt  }
0x41: {  	_ =	shalt  }
0x42: {  	_ =	shalt  }
0x43: {  	_ =	shalt  }
0x44: {  	_ =	shalt  }
0x45: {  	_ =	shalt  }
0x46: {  	_ =	shalt  }
0x47: {  	_ =	shalt  }
0x48: {  	_ =	shalt  }
0x49: {  	_ =	shalt  }
0x4a: {  	_ =	shalt  }
0x4b: {  	_ =	shalt  }
0x4c: {  	_ =	shalt  }
0x4d: {  	_ =	shalt  }
0x4e: {  	_ =	shalt  }
0x4f: {  	_ =	shalt  }
0x50: {  	_ =	shalt  }
0x51: {  	_ =	shalt  }
0x52: {  	_ =	shalt  }
0x53: {  	_ =	shalt  }
0x54: {  	_ =	shalt  }
0x55: {  	_ =	shalt  }
0x56: {  	_ =	shalt  }
0x57: {  	_ =	shalt  }
0x58: {  	_ =	shalt  }
0x59: {  	_ =	shalt  }
0x5a: {  	_ =	shalt  }
0x5b: {  	_ =	shalt  }
0x5c: {  	_ =	shalt  }
0x5d: {  	_ =	shalt  }
0x5e: {  	_ =	shalt  }
0x5f: {  	_ =	shalt  }
0x60: {  	_ =	shalt  }
0x61: {  	_ =	shalt  }
0x62: {  	_ =	shalt  }
0x63: {  	_ =	shalt  }
0x64: {  	_ =	shalt  }
0x65: {  	_ =	shalt  }
0x66: {  	_ =	shalt  }
0x67: {  	_ =	shalt  }
0x68: {  	_ =	shalt  }
0x69: {  	_ =	shalt  }
0x6a: {  	_ =	shalt  }
0x6b: {  	_ =	shalt  }
0x6c: {  	_ =	shalt  }
0x6d: {  	_ =	shalt  }
0x6e: {  	_ =	shalt  }
0x6f: {  	_ =	shalt  }
0x70: {  	_ =	shalt  }
0x71: {  	_ =	shalt  }
0x72: {  	_ =	shalt  }
0x73: {  	_ =	shalt  }
0x74: {  	_ =	shalt  }
0x75: {  	_ =	shalt  }
0x76: {  	_ =	shalt  }
0x77: {  	_ =	shalt  }
0x78: {  	_ =	shalt  }
0x79: {  	_ =	shalt  }
0x7a: {  	_ =	shalt  }
0x7b: {  	_ =	shalt  }
0x7c: {  	_ =	shalt  }
0x7d: {  	_ =	shalt  }
0x7e: {  	_ =	shalt  }
0x7f: {  	_ =	shalt  }
0x80: {  	_ =	shalt  }
0x81: {  	_ =	shalt  }
0x82: {  	_ =	shalt  }
0x83: {  	_ =	shalt  }
0x84: {  	_ =	shalt  }
0x85: {  	_ =	shalt  }
0x86: {  	_ =	shalt  }
0x87: {  	_ =	shalt  }
.Lfunc_end0:
.L_simem_size_0:
called_computation_lowered:
.L_overlay_start_0:
0x88: {  	s2 =	sld [smem:$0x3FD9]  }
0x89: {  	s3 =	sld [smem:$0x3FFE];
	_ =	sdelay $0x1  }
0x8a: {  	s1 =	srdreg.scid  }
0x8b: {  	s0 =	sand.u32 $0x1, s1  }
0x8c: {  	s16 =	sshll.u32 s0, $0xA;
	s2 =	sadd.s32 s3, s2  }
0x8d: {  	s2 =	sadd.s32 s2, s16  }
0x8e: {  	[smem:$0x3FC7] =	sst s2  }
0x8f: {  	_ = 	snop  }
0x90: {  	(tm) =	ssettm $0x1  }
0x91: {  	s17 =	sld [smem:$0x3FFB];
	_ =	sdelay $0x3  }
0x92: {  	_ =	strace s17  }
0x93: {  	s2 =	sld [smem:$0x3FFC];
	_ =	sdelay $0x3  }
0x94: {  	_ =	strace s2  }
0x95: {  	s2 =	sld [smem:$0x3FFD];
	_ =	sdelay $0x3  }
0x96: {  	_ =	strace s2  }
0x97: {  	_ =	strace $0x8FFFFFFF  }
0x98: {  	s18 =	sld [smem:$0x3FDB];
	_ =	sdelay $0x1  }
0x99: {  	s19 =	simm.s32 $_scs_section_size  }
0x9a: {  	s4 =	simm.s32 $_size__tile_overlayer_lowered;
	s5 =	simm.s32 $_tile_overlayer_lowered  }
0x9b: {  	s22 =	simm.s32 $0x1BFF;
	s21 =	sshll.u32 s5, $0x1;
	s2 =	sadd.s32 s19, s18  }
0x9c: {  	s6 =	simm.s32 $0x0;
	s20 =	sshll.u32 s4, $0x1;
	s4 =	sadd.s32 s21, s2  }
0x9d: {  	[timem:s6], [sflag:s22] =	dma.local [hbm:s4], s20  }
0x9e: {  	_ =	swait.ge [sflag:s22], s20  }
0x9f: {  	s3 =	ssub.s32 $0x0, s20;
	[sflag:s22] =	ssyncset.done $0x0  }
0xa0: {  	[sflag:s22] =	ssyncadd.s32 s3;
	_ =	sdelay $0x1  }
0xa1: {  	s23 =	simm.s32 $0x1B8B  }
0xa2: {  	_ =	swait.ge [sflag:s23], $0x1  }
0xa3: {  	[sflag:s23] =	ssyncset.done $0x0  }
0xa4: {  	s25 =	simm.s32 $0x1B8E;
	s24 =	sld [smem:$0x3FFE];
	[sflag:s23] =	ssyncadd.s32 $0xFFFFFFFF  }
0xa5: {  	s26 =	simm.s32 $execute0_lowered;
	[smem:$0x3FD2] =	sst s25  }
0xa6: {  	s4 =	sshll.u32 s26, $0x1;
	_ =	strace $0x80000046;
	[dreg:$0x1] =	wrdreg $0xFFFFFFFF  }
0xa7: {  	s28 =	simm.s32 $_size_execute0_lowered;
	s2 =	sadd.s32 s2, s4;
	[dreg:$0x0] =	wrdreg $0x0  }
0xa8: {  	s4 =	sshll.u32 s28, $0x1;
	[dreg:$0x2] =	wrdreg s2  }
0xa9: {  	[dreg:$0x3] =	wrdreg s4  }
0xaa: {  	[dreg:$0x4] =	wrdreg $0xC0  }
0xab: {  	_ =	task [dreg:s6], $0x5FFFF  }
0xac: {  	[dreg:$0x1] =	wrdreg $0xFFFFFFFF  }
0xad: {  	[dreg:$0x0] =	wrdreg $0x60  }
0xae: {  	[dreg:$0x2] =	wrdreg s24  }
0xaf: {  	[dreg:$0x3] =	wrdreg $0x9  }
0xb0: {  	_ =	task.clear_ibuf [dreg:s6], $0x4FFFF;
	_ =	strace $0x90000046  }
0xb1: {  	s29 =	simm.s32 $0x9;
	_ =	strace $0x80000048  }
0xb2: {  	_ =	swait.ge [sflag:s29], $0x1  }
0xb3: {  	[sflag:s29] =	ssyncadd.s32 $0xFFFFFFFF  }
0xb4: {  	_ =	strace $0x90000048  }
0xb5: {  	_ =	sfence  }
0xb6: {  	s30 =	sld [smem:$0x0];
	_ =	sdelay $0x2  }
0xb7: {  	s31 =	sshll.u32 s1, $0xD;
	s1 =	sshrl.u32 s1, $0x2  }
0xb8: {  	s3 =	sand.u32 $0x4000, s31;
	s1 =	sadd.s32 s1, s30  }
0xb9: {  	s0 =	sor.u32 s3, s0;
	s1 =	sshll.u32 s1, $0x11  }
0xba: {  	s0 =	sor.u32 s1, s0  }
0xbb: {  	s0 =	sadd.s32 $0x8F2B, s0  }
0xbc: {  	[sflag:s0] =	ssyncadd.remote.s32 $0x1  }
0xbd: {  	_ =	sfence.sel $0xFFFF  }
0xbe: {  	[dreg:$0x0] =	wrdreg $0xFFFFFFFF;
	(pc) =	sbr.abs _section_cstart, $3  }
0xbf: {  	[dreg:$0x1] =	wrdreg $0xFFFFFFFF  }
0xc0: {  	_ =	task.clear_ibuf [dreg:s6], $0x2FFFF;
	_ =	strace $0x9FFFFFFF  }
0xc1: {  	(tm) =	ssettm $0x7FFFFFFF  }
tec
execute0_lowered:
.L_overlay_start_1:
0x0: {  	(tag) =	ssettag $0x1  }
0x1: {  	s1 =	srdreg.scid  }
0x2: {  	s0 =	stileid.u32;
	s6 =	sand.u32 $0x1, s1  }
0x3: {  	s31 =	sshll.u32 s0, $0x4;
	s2 =	sshll.u32 s6, $0x3  }
0x4: {  	s3 =	rddreg [dreg:$0x0];
	s4 =	sor.u32 s2, s31  }
0x5: {  	s1 =	rddreg [dreg:$0x1];
	s2 =	simm.s32 $0x0;
	s4 =	smul.u32 $0x3200, s4  }
0x6: {  	s13 =	simm.s32 $0x1;
	s14 =	simm.s32 $0x0;
	[smem:$0x7FF] =	sst s2  }
0x7: {  	s10 =	ssub.s32 $0x2, s6;
	_ =	strace $0x80000047;
	s11 =	sadd.s32 s4, s3  }
0x8: {  	s3 =	sadd.s32 $0x600, s3;
	s4 =	sadd.s32 $0x320E00, s11;
	s5 =	sadd.s32 $0x324000, s11  }
0x9: {  	s12 =	sshrl.u32 s10, $0x1;
	s6 =	sadd.s32 $0x327200, s11;
	s7 =	sadd.s32 $0x32A400, s11  }
0xa: {  	s12 =	ssub.s32 s10, s12;
	s8 =	sadd.s32 $0x32D600, s11;
	s9 =	sadd.s32 $0x330800, s11  }
0xb: {  	s12 =	smax.u32 s12, $0x1;
	s10 =	sadd.s32 $0x333A00, s11;
	s11 =	sadd.s32 $0x336C00, s11  }
.LBB2_1:
0xc: {  	s16 =	simm.s32 $0x0;
	s17 =	simm.s32 $0x0  }
.LBB2_2:
0xd: {  	p0 =	sne.s32 s17, $0x630  }
.Ltmp0:
0xe: {  	_ = 	snop;
	(pc) =	sbr.rel @p0 .LBB2_2-.Ltmp0, $4  }
0xf: {  	_ = 	snop  }
0x10: {  	s18 =	sadd.s32 s17, s3;
	s15 =	simm.s32 $0x0  }
0x11: {  	[tilespmem:s16], [sflag:$0x1] =	stream.linear.gather [hbm4b:s18+s15], $0x80, $0x38;
	[tilespmem:$0x19000] =	vst v63  }
0x12: {  	s17 =	sadd.s32 $0x10, s17;
	s16 =	sadd.s32 $0x400, s16  }
0x13: {  	s16 =	simm.s32 $0x80;
	s17 =	simm.s32 $0x0  }
.LBB2_4:
0x14: {  	p0 =	sne.s32 s17, $0x630  }
.Ltmp1:
0x15: {  	_ = 	snop;
	(pc) =	sbr.rel @p0 .LBB2_4-.Ltmp1, $4  }
0x16: {  	_ = 	snop  }
0x17: {  	s18 =	sadd.s32 s17, s3  }
0x18: {  	[tilespmem:s16], [sflag:$0x1] =	stream.linear.gather [hbm4b:s18+s15], $0x80, $0x38;
	[tilespmem:$0x19000] =	vst v63  }
0x19: {  	s17 =	sadd.s32 $0x10, s17;
	s16 =	sadd.s32 $0x400, s16  }
0x1a: {  	s17 =	simm.s32 $0x100  }
.LBB2_6:
0x1b: {  	p0 =	sne.s32 s15, $0x630  }
.Ltmp2:
0x1c: {  	_ = 	snop;
	(pc) =	sbr.rel @p0 .LBB2_6-.Ltmp2, $4  }
0x1d: {  	_ = 	snop  }
0x1e: {  	s18 =	sadd.s32 s15, s3;
	s16 =	simm.s32 $0x0  }
0x1f: {  	[tilespmem:s17], [sflag:$0x1] =	stream.linear.gather [hbm4b:s18+s16], $0x80, $0x38;
	[tilespmem:$0x19000] =	vst v63  }
0x20: {  	s15 =	sadd.s32 $0x10, s15;
	s17 =	sadd.s32 $0x400, s17  }
0x21: {  	s15 =	simm.s32 $0x180;
	s17 =	simm.s32 $0x0  }
.LBB2_8:
0x22: {  	p0 =	sne.s32 s17, $0x630  }
.Ltmp3:
0x23: {  	_ = 	snop;
	(pc) =	sbr.rel @p0 .LBB2_8-.Ltmp3, $4  }
0x24: {  	_ = 	snop  }
0x25: {  	s18 =	sadd.s32 s17, s3  }
0x26: {  	[tilespmem:s15], [sflag:$0x1] =	stream.linear.gather [hbm4b:s18+s16], $0x80, $0x38;
	[tilespmem:$0x19000] =	vst v63  }
0x27: {  	s17 =	sadd.s32 $0x10, s17;
	s15 =	sadd.s32 $0x400, s15  }
0x28: {  	s17 =	simm.s32 $0x200  }
.LBB2_10:
0x29: {  	p0 =	sne.s32 s16, $0x630  }
.Ltmp4:
0x2a: {  	_ = 	snop;
	(pc) =	sbr.rel @p0 .LBB2_10-.Ltmp4, $4  }
0x2b: {  	_ = 	snop  }
0x2c: {  	s18 =	sadd.s32 s16, s3;
	s15 =	simm.s32 $0x0  }
0x2d: {  	[tilespmem:s17], [sflag:$0x1] =	stream.linear.gather [hbm4b:s18+s15], $0x80, $0x38;
	[tilespmem:$0x19000] =	vst v63  }
0x2e: {  	s16 =	sadd.s32 $0x10, s16;
	s17 =	sadd.s32 $0x400, s17  }
0x2f: {  	s16 =	simm.s32 $0x280;
	s17 =	simm.s32 $0x0  }
.LBB2_12:
0x30: {  	p0 =	sne.s32 s17, $0x630  }
.Ltmp5:
0x31: {  	_ = 	snop;
	(pc) =	sbr.rel @p0 .LBB2_12-.Ltmp5, $4  }
0x32: {  	_ = 	snop  }
0x33: {  	s18 =	sadd.s32 s17, s3  }
0x34: {  	[tilespmem:s16], [sflag:$0x1] =	stream.linear.gather [hbm4b:s18+s15], $0x80, $0x38;
	[tilespmem:$0x19000] =	vst v63  }
0x35: {  	s17 =	sadd.s32 $0x10, s17;
	s16 =	sadd.s32 $0x400, s16  }
0x36: {  	s16 =	simm.s32 $0x300  }
.LBB2_14:
0x37: {  	p0 =	sne.s32 s15, $0x630  }
.Ltmp6:
0x38: {  	_ = 	snop;
	(pc) =	sbr.rel @p0 .LBB2_14-.Ltmp6, $4  }
0x39: {  	_ = 	snop  }
0x3a: {  	s17 =	sadd.s32 s15, s3;
	s18 =	simm.s32 $0x0  }
0x3b: {  	[tilespmem:s16], [sflag:$0x1] =	stream.linear.gather [hbm4b:s17+s18], $0x80, $0x38;
	[tilespmem:$0x19000] =	vst v63  }
0x3c: {  	s15 =	sadd.s32 $0x10, s15;
	s16 =	sadd.s32 $0x400, s16  }
0x3d: {  	s15 =	simm.s32 $0x380  }
0x3e: {  	s16 =	simm.s32 $0x10;
	s18 =	sadd.s32 $0x0, s3;
	s17 =	simm.s32 $0x780  }
.LBB2_16:
0x3f: {  	[tilespmem:s15], [sflag:$0x1] =	stream.linear.gather [hbm4b:s18+s2], $0x80, $0x38;
	[tilespmem:$0x19000] =	vst v63  }
0x40: {  	s18 =	smov.u32 s16;
	s15 =	smov.u32 s17;
	p0 =	sne.s32 s16, $0x630  }
.Ltmp7:
0x41: {  	s16 =	sadd.s32 $0x10, s16;
	(pc) =	sbr.rel @p0 .LBB2_16-.Ltmp7, $2  }
0x42: {  	_ =	sdelay $0x2  }
0x43: {  	s17 =	sadd.s32 $0x400, s17;
	s18 =	sadd.s32 s18, s3  }
0x44: {  	[tilespmem:s15], [sflag:$0x1] =	stream.linear.gather [hbm4b:s18+s2], $0x80, $0x38;
	[tilespmem:$0x19000] =	vst v63  }
0x45: {  	_ =	swait.ge [sflag:s13], $0x3200  }
0x46: {  	[sflag:s13] =	ssyncset.done $0x0  }
0x47: {  	[sflag:s13] =	ssyncadd.s32 $0xFFFFCE00  }
0x48: {  	_ =	swait.ge [sflag:s13], $0x3200  }
0x49: {  	[sflag:s13] =	ssyncset.done $0x0  }
0x4a: {  	[sflag:s13] =	ssyncadd.s32 $0xFFFFCE00  }
0x4b: {  	_ =	swait.ge [sflag:s13], $0x3200  }
0x4c: {  	[sflag:s13] =	ssyncset.done $0x0  }
0x4d: {  	[sflag:s13] =	ssyncadd.s32 $0xFFFFCE00  }
0x4e: {  	_ =	swait.ge [sflag:s13], $0x3200  }
0x4f: {  	[sflag:s13] =	ssyncset.done $0x0  }
0x50: {  	[sflag:s13] =	ssyncadd.s32 $0xFFFFCE00  }
0x51: {  	_ =	swait.ge [sflag:s13], $0x3200  }
0x52: {  	[sflag:s13] =	ssyncset.done $0x0  }
0x53: {  	[sflag:s13] =	ssyncadd.s32 $0xFFFFCE00  }
0x54: {  	_ =	swait.ge [sflag:s13], $0x3200  }
0x55: {  	[sflag:s13] =	ssyncset.done $0x0  }
0x56: {  	[sflag:s13] =	ssyncadd.s32 $0xFFFFCE00  }
0x57: {  	_ =	swait.ge [sflag:s13], $0x3200  }
0x58: {  	[sflag:s13] =	ssyncset.done $0x0  }
0x59: {  	[sflag:s13] =	ssyncadd.s32 $0xFFFFCE00  }
0x5a: {  	_ =	swait.ge [sflag:s13], $0x3200  }
0x5b: {  	[sflag:s13] =	ssyncset.done $0x0  }
0x5c: {  	[sflag:s13] =	ssyncadd.s32 $0xFFFFCE00  }
0x5d: {  	[hbm4b:s4+s2] =	stream.linear.scatter [tilespmem:s2], [sflag:$0x1], $0x19000, $0x38;
	[tilespmem:$0x19000] =	vst v63  }
0x5e: {  	_ = 	snop  }
0x5f: {  	[hbm4b:s5+s2] =	stream.linear.scatter [tilespmem:s2], [sflag:$0x1], $0x19000, $0x38;
	[tilespmem:$0x19000] =	vst v63  }
0x60: {  	_ = 	snop  }
0x61: {  	[hbm4b:s6+s2] =	stream.linear.scatter [tilespmem:s2], [sflag:$0x1], $0x19000, $0x38;
	[tilespmem:$0x19000] =	vst v63  }
0x62: {  	_ = 	snop  }
0x63: {  	[hbm4b:s7+s2] =	stream.linear.scatter [tilespmem:s2], [sflag:$0x1], $0x19000, $0x38;
	[tilespmem:$0x19000] =	vst v63  }
0x64: {  	_ = 	snop  }
0x65: {  	[hbm4b:s8+s2] =	stream.linear.scatter [tilespmem:s2], [sflag:$0x1], $0x19000, $0x38;
	[tilespmem:$0x19000] =	vst v63  }
0x66: {  	_ = 	snop  }
0x67: {  	[hbm4b:s9+s2] =	stream.linear.scatter [tilespmem:s2], [sflag:$0x1], $0x19000, $0x38;
	[tilespmem:$0x19000] =	vst v63  }
0x68: {  	_ = 	snop  }
0x69: {  	[hbm4b:s10+s2] =	stream.linear.scatter [tilespmem:s2], [sflag:$0x1], $0x19000, $0x38;
	[tilespmem:$0x19000] =	vst v63  }
0x6a: {  	_ = 	snop  }
0x6b: {  	[hbm4b:s11+s2] =	stream.linear.scatter [tilespmem:s2], [sflag:$0x1], $0x19000, $0x38;
	[tilespmem:$0x19000] =	vst v63  }
0x6c: {  	_ =	swait.ge [sflag:s13], $0x19000  }
0x6d: {  	[sflag:s13] =	ssyncset.done $0x0  }
0x6e: {  	[sflag:s13] =	ssyncadd.s32 $0xFFFE7000  }
0x6f: {  	_ =	swait.ge [sflag:s13], $0x19000  }
0x70: {  	[sflag:s13] =	ssyncset.done $0x0  }
0x71: {  	[sflag:s13] =	ssyncadd.s32 $0xFFFE7000  }
0x72: {  	_ =	swait.ge [sflag:s13], $0x19000  }
0x73: {  	[sflag:s13] =	ssyncset.done $0x0  }
0x74: {  	[sflag:s13] =	ssyncadd.s32 $0xFFFE7000  }
0x75: {  	_ =	swait.ge [sflag:s13], $0x19000  }
0x76: {  	[sflag:s13] =	ssyncset.done $0x0  }
0x77: {  	[sflag:s13] =	ssyncadd.s32 $0xFFFE7000  }
0x78: {  	_ =	swait.ge [sflag:s13], $0x19000  }
0x79: {  	[sflag:s13] =	ssyncset.done $0x0  }
0x7a: {  	[sflag:s13] =	ssyncadd.s32 $0xFFFE7000  }
0x7b: {  	_ =	swait.ge [sflag:s13], $0x19000  }
0x7c: {  	[sflag:s13] =	ssyncset.done $0x0  }
0x7d: {  	s14 =	sadd.s32 $0x1, s14;
	[sflag:s13] =	ssyncadd.s32 $0xFFFE7000  }
0x7e: {  	p0 =	sne.s32 s14, s12;
	_ =	swait.ge [sflag:s13], $0x19000  }
.Ltmp8:
0x7f: {  	[sflag:s13] =	ssyncset.done $0x0;
	(pc) =	sbr.rel @p0 .LBB2_1-.Ltmp8, $4  }
0x80: {  	[sflag:s13] =	ssyncadd.s32 $0xFFFE7000  }
0x81: {  	_ =	swait.ge [sflag:s13], $0x19000  }
0x82: {  	[sflag:s13] =	ssyncset.done $0x0  }
0x83: {  	[sflag:s13] =	ssyncadd.s32 $0xFFFE7000  }
0x84: {  	_ =	sfence.sel $0x180000  }
0x85: {  	[bflag:$0x0] =	sbarrier.arrive $0xFFFF  }
0x86: {  	p0 =	sne.s32 s0, $0x0;
	_ =	strace $0x90000047  }
0x87: {  	s0 =	sadd.s32 @!p0 $0x100000, s1;
	[bflag:$0x2] =	sbarrier.arrive $0xFFFF  }
0x88: {  	[sflag:s0] =	ssyncadd.tile.s32 @!p0 $0x1;
	_ =	shalt  }
.Lfunc_end2:
_tile_overlayer_lowered:
.L_overlay_start_2:
0x89: {  	(tag) =	ssettag $0x2  }
0x8a: {  	s0 =	rddreg [dreg:$0x0];
	s2 =	stileid.u32  }
0x8b: {  	s1 =	rddreg [dreg:$0x1];
	p0 =	sne.s32 s2, $0x0  }
0x8c: {  	s3 =	rddreg [dreg:$0x2];
	[bflag:$0x3] =	sbarrier.arrive $0xFFFF;
	s2 =	simm.s32 @!p0 $0x1C02  }
0x8d: {  	[timem:s3], [sflag:s2] =	dma.local @!p0 [hbm:s0], s1  }
0x8e: {  	s0 =	simm.s32 @!p0 $0x2  }
0x8f: {  	_ =	swait.ge @!p0 [sflag:s0], s1  }
0x90: {  	s1 =	ssub.s32 @!p0 $0x0, s1;
	[sflag:s0] =	ssyncset.done @!p0 $0x0  }
0x91: {  	[sflag:s0] =	ssyncadd.s32 @!p0 s1  }
0x92: {  	[bflag:$0x3] =	sbarrier.arrive $0xFFFF  }
0x93: {  	_ =	shalt  }

</sc_bundles>
